<compile_context>
chip_gen: v7x
topology: tpu7x:2x2x1
jax: 0.10.2.dev20260603
libtpu: 0.0.44.dev20260713+nightly
codegen_flags: <defaults>
</compile_context>

<pallas_src>
import functools

import jax
import jax.numpy as jnp
from jax import lax
from jax.experimental import pallas as pl
from jax.experimental.pallas import tpu as pltpu
from jax.experimental.pallas import tpu_sc as plsc

CHUNK = 200


@functools.lru_cache(maxsize=None)
def _build_gather(total, n_rows, hidden):
    info = plsc.get_sparse_core_info()
    nc, ns = info.num_cores, info.num_subcores
    nw = nc * ns
    per_w = total // nw
    n_chunks = per_w // CHUNK
    assert n_chunks % 4 == 0
    rows_per_tile = n_rows // ns
    mesh = plsc.VectorSubcoreMesh(core_axis_name="c", subcore_axis_name="s")

    @functools.partial(
        pl.kernel,
        mesh=mesh,
        out_type=jax.ShapeDtypeStruct((total, hidden), jnp.float32),
        scratch_types=[
            pltpu.VMEM((per_w,), jnp.int32),
            pltpu.VMEM((CHUNK, hidden), jnp.float32),
            pltpu.VMEM((CHUNK, hidden), jnp.float32),
            pltpu.VMEM((CHUNK, hidden), jnp.float32),
            pltpu.VMEM((CHUNK, hidden), jnp.float32),
            pltpu.VMEM_SHARED((n_rows, hidden), jnp.float32),
            pltpu.SemaphoreType.DMA,
            pltpu.SemaphoreType.DMA,
            pltpu.SemaphoreType.DMA,
            pltpu.SemaphoreType.DMA,
        ],
    )
    def gather_kernel(table_hbm, idx_hbm, out_hbm, idx_v, rows0, rows1,
                      rows2, rows3, table_sp, sem0, sem1, sem2, sem3):
        cid = lax.axis_index("c")
        sid = lax.axis_index("s")
        wid = sid * nc + cid
        base = wid * per_w

        idx_cp = pltpu.make_async_copy(idx_hbm.at[pl.ds(base, per_w)], idx_v,
                                       sem0)
        idx_cp.start()
        stripe = sid * rows_per_tile
        pltpu.sync_copy(table_hbm.at[pl.ds(stripe, rows_per_tile)],
                        table_sp.at[pl.ds(stripe, rows_per_tile)])
        plsc.subcore_barrier()
        idx_cp.wait()

        bufs = (rows0, rows1, rows2, rows3)
        sems = (sem0, sem1, sem2, sem3)
        nb = len(bufs)

        def start_gather(i, buf, sem):
            pltpu.async_copy(table_sp.at[idx_v.at[pl.ds(i * CHUNK, CHUNK)]],
                             buf, sem)

        def wait_gather(i, buf, sem):
            pltpu.make_async_copy(
                table_sp.at[idx_v.at[pl.ds(i * CHUNK, CHUNK)]], buf, sem
            ).wait()

        def start_out(i, buf, sem):
            pltpu.async_copy(buf, out_hbm.at[pl.ds(base + i * CHUNK, CHUNK)],
                             sem)

        def wait_out(i, buf, sem):
            pltpu.make_async_copy(
                buf, out_hbm.at[pl.ds(base + i * CHUNK, CHUNK)], sem
            ).wait()

        start_gather(0, bufs[0], sems[0])

        def ring_body(p, carry):
            for b in range(nb):
                i = nb * p + b
                nxt = (b + 1) % nb
                wait_gather(i, bufs[b], sems[b])
                start_out(i, bufs[b], sems[b])

                @pl.when(i + 1 < n_chunks)
                def _():
                    @pl.when(i + 1 >= nb)
                    def _():
                        wait_out(i + 1 - nb, bufs[nxt], sems[nxt])

                    start_gather(i + 1, bufs[nxt], sems[nxt])
            return carry

        lax.fori_loop(0, n_chunks // nb, ring_body, 0)
        for b in range(nb):
            i = n_chunks - nb + b
            wait_out(i, bufs[i % nb], sems[i % nb])

    return gather_kernel


def kernel(top_vecs, position_ids, pos_table):
    del top_vecs
    b, s = position_ids.shape
    idx = position_ids.reshape(-1).astype(jnp.int32)
    out = _build_gather(b * s, pos_table.shape[0], pos_table.shape[1])(
        pos_table, idx)
    return out.reshape(b, s, pos_table.shape[1])

# --- scband reference (transcript-rebuilt; emitter-appended) ---
"""Pipeline reference for scband-lpsent-add-emb-pos-52295521796617 (READ-ONLY COPY).

The authoritative reference and input builder live on the scoring server;
editing this copy changes nothing except your own understanding.
"""

import jax, jax.numpy as jnp
import numpy as np

MAX_NSENT = 512
HIDDEN = 128
BATCH = 1024
NSENTS = 200

def setup_inputs(seed: int = 0) -> dict:
    key = jax.random.key(seed)
    k1, k2, k3 = jax.random.split(key, 3)
    top_vecs = jax.random.normal(k1, (BATCH, NSENTS, HIDDEN), dtype=jnp.float32)
    position_ids = jax.random.randint(k2, (BATCH, NSENTS), 0, MAX_NSENT, dtype=jnp.int64)
    pos_table = jax.random.normal(k3, (MAX_NSENT, HIDDEN), dtype=jnp.float32) * 0.02
    return {"top_vecs": top_vecs, "position_ids": position_ids, "pos_table": pos_table}

def reference(top_vecs, position_ids, pos_table):
    # Faithful translation of LPSentAddEmbPOS.forward:
    # position_ids provided -> embedding lookup into position_embeddings table.
    # (LayerNorm/dropout are constructed in __init__ but NOT applied in forward.)
    position_embeddings = jnp.take(pos_table, position_ids, axis=0)
    return position_embeddings

if __name__ == "__main__":
    import jax
    _d = setup_inputs()
    print(jax.jit(kernel)(*tuple(_d.values())))

</pallas_src>

<mosaic_0001>
#map = affine_map<(d0, d1) -> (0, 0)>
#map1 = affine_map<(d0, d1) -> (0)>
module attributes {stable_mosaic.version = 14 : i64} {
  func.func @gather_kernel(%arg0: i32, %arg1: i32, %arg2: memref<512x128xf32, #tpu.memory_space<hbm>>, %arg3: memref<204800xi32, #tpu.memory_space<hbm>>, %arg4: memref<204800x128xf32, #tpu.memory_space<hbm>>, %arg5: memref<6400xi32, #tpu.memory_space<vmem>>, %arg6: memref<200x128xf32, #tpu.memory_space<vmem>>, %arg7: memref<200x128xf32, #tpu.memory_space<vmem>>, %arg8: memref<200x128xf32, #tpu.memory_space<vmem>>, %arg9: memref<200x128xf32, #tpu.memory_space<vmem>>, %arg10: memref<512x128xf32, #tpu.memory_space<vmem_shared>>, %arg11: memref<!tpu.dma_semaphore, #tpu.memory_space<semaphore_mem>>, %arg12: memref<!tpu.dma_semaphore, #tpu.memory_space<semaphore_mem>>, %arg13: memref<!tpu.dma_semaphore, #tpu.memory_space<semaphore_mem>>, %arg14: memref<!tpu.dma_semaphore, #tpu.memory_space<semaphore_mem>>) attributes {dimension_semantics = [#tpu.dimension_semantics<core_parallel>, #tpu.dimension_semantics<subcore_parallel>], iteration_bounds = array<i64: 2, 16>, scalar_prefetch = 0 : i64, scratch_operands = 10 : i64, tpu.core_type = #tpu.core_type<sc_vector_subcore>, window_params = [{transform_indices = #map}, {transform_indices = #map1}, {transform_indices = #map}]} {
    %mul3A = arith.constant 2 : i32
    %mul3A_0 = arith.muli %arg1, %mul3A : i32
    %add3A = arith.addi %mul3A_0, %arg0 : i32
    %mul3A_1 = arith.constant 6400 : i32
    %mul3A_2 = arith.muli %add3A, %mul3A_1 : i32
    %dma_start3A = tpu.memref_slice %arg3[%mul3A_2] : memref<204800xi32, #tpu.memory_space<hbm>> -> memref<6400xi32, #tpu.memory_space<hbm>>
    %dma_start3A_3 = tpu.memref_slice %arg3[%mul3A_2] : memref<204800xi32, #tpu.memory_space<hbm>> -> memref<6400xi32, #tpu.memory_space<hbm>>
    tpu.enqueue_dma source(%dma_start3A_3 : memref<6400xi32, #tpu.memory_space<hbm>>) target(%arg5 : memref<6400xi32, #tpu.memory_space<vmem>>) target_semaphore(%arg11 : memref<!tpu.dma_semaphore, #tpu.memory_space<semaphore_mem>>)
    %mul3A_4 = arith.constant 32 : i32
    %mul3A_5 = arith.muli %arg1, %mul3A_4 : i32
    "tpu.region"() ({
      %run_scoped3A = tpu.sem_alloc : memref<!tpu.dma_semaphore, #tpu.memory_space<semaphore_mem>>
      %dma_start3A_41 = arith.constant 0 : i32
      %dma_start3A_42 = tpu.memref_slice %arg10[%mul3A_5, %dma_start3A_41] : memref<512x128xf32, #tpu.memory_space<vmem_shared>> -> memref<32x128xf32, #tpu.memory_space<vmem_shared>>
      %dma_start3A_43 = arith.constant 0 : i32
      %dma_start3A_44 = tpu.memref_slice %arg2[%mul3A_5, %dma_start3A_43] : memref<512x128xf32, #tpu.memory_space<hbm>> -> memref<32x128xf32, #tpu.memory_space<hbm>>
      tpu.enqueue_dma source(%dma_start3A_44 : memref<32x128xf32, #tpu.memory_space<hbm>>) target(%dma_start3A_42 : memref<32x128xf32, #tpu.memory_space<vmem_shared>>) target_semaphore(%run_scoped3A : memref<!tpu.dma_semaphore, #tpu.memory_space<semaphore_mem>>)
      %dma_wait3A_45 = arith.constant 0 : i32
      %dma_wait3A_46 = tpu.memref_slice %arg10[%mul3A_5, %dma_wait3A_45] : memref<512x128xf32, #tpu.memory_space<vmem_shared>> -> memref<32x128xf32, #tpu.memory_space<vmem_shared>>
      %dma_wait3A_47 = arith.constant 0 : i32
      %dma_wait3A_48 = tpu.memref_slice %arg2[%mul3A_5, %dma_wait3A_47] : memref<512x128xf32, #tpu.memory_space<hbm>> -> memref<32x128xf32, #tpu.memory_space<hbm>>
      tpu.wait_dma2 semaphore(%run_scoped3A : memref<!tpu.dma_semaphore, #tpu.memory_space<semaphore_mem>>) src(%dma_wait3A_48 : memref<32x128xf32, #tpu.memory_space<hbm>>) dst(%dma_wait3A_46 : memref<32x128xf32, #tpu.memory_space<vmem_shared>>)
      tpu.yield
    }) : () -> ()
    %barrier3A = arith.constant 0 : index
    tpu.barrier barrier_id(%barrier3A)
    %dma_wait3A = tpu.memref_slice %arg3[%mul3A_2] : memref<204800xi32, #tpu.memory_space<hbm>> -> memref<6400xi32, #tpu.memory_space<hbm>>
    %dma_wait3A_6 = tpu.memref_slice %arg3[%mul3A_2] : memref<204800xi32, #tpu.memory_space<hbm>> -> memref<6400xi32, #tpu.memory_space<hbm>>
    tpu.wait_dma2 semaphore(%arg11 : memref<!tpu.dma_semaphore, #tpu.memory_space<semaphore_mem>>) src(%dma_wait3A_6 : memref<6400xi32, #tpu.memory_space<hbm>>) dst(%arg5 : memref<6400xi32, #tpu.memory_space<vmem>>)
    %dma_start3A_7 = arith.constant 0 : i32
    %dma_start3A_8 = tpu.memref_slice %arg5[%dma_start3A_7] : memref<6400xi32, #tpu.memory_space<vmem>> -> memref<200xi32, #tpu.memory_space<vmem>>
    %dma_start3A_9 = arith.constant 0 : i32
    %dma_start3A_10 = arith.constant 0 : i32
    %dma_start3A_11 = tpu.memref_slice %arg10[%dma_start3A_9, %dma_start3A_10] : memref<512x128xf32, #tpu.memory_space<vmem_shared>> -> memref<512x128xf32, #tpu.memory_space<vmem_shared>>
    tpu.enqueue_indirect_dma source(%dma_start3A_11 : memref<512x128xf32, #tpu.memory_space<vmem_shared>>) target(%arg6 : memref<200x128xf32, #tpu.memory_space<vmem>>) offsets(%dma_start3A_8 : memref<200xi32, #tpu.memory_space<vmem>>) semaphore(%arg11 : memref<!tpu.dma_semaphore, #tpu.memory_space<semaphore_mem>>)
    %scan3A = arith.constant 0 : i32
    %scan3A_12 = arith.constant 0 : i32
    %scan3A_13 = arith.constant 8 : i32
    %scan3A_14 = arith.addi %scan3A_12, %scan3A_13 : i32
    %scan3A_15 = arith.constant 1 : i32
    scf.for %scan3A_41 = %scan3A_12 to %scan3A_14 step %scan3A_15  : i32 {
      %mul3A_42 = arith.constant 4 : i32
      %mul3A_43 = arith.muli %mul3A_42, %scan3A_41 : i32
      %add3A_44 = arith.constant 0 : i32
      %add3A_45 = arith.addi %mul3A_43, %add3A_44 : i32
      %mul3A_46 = arith.constant 200 : i32
      %mul3A_47 = arith.muli %add3A_45, %mul3A_46 : i32
      %dma_wait3A_48 = tpu.memref_slice %arg5[%mul3A_47] : memref<6400xi32, #tpu.memory_space<vmem>> -> memref<200xi32, #tpu.memory_space<vmem>>
      %dma_wait3A_49 = arith.constant 0 : i32
      %dma_wait3A_50 = arith.constant 0 : i32
      %dma_wait3A_51 = tpu.memref_slice %arg10[%dma_wait3A_49, %dma_wait3A_50] : memref<512x128xf32, #tpu.memory_space<vmem_shared>> -> memref<512x128xf32, #tpu.memory_space<vmem_shared>>
      tpu.wait_indirect_dma semaphore(%arg11 : memref<!tpu.dma_semaphore, #tpu.memory_space<semaphore_mem>>) src(%dma_wait3A_51 : memref<512x128xf32, #tpu.memory_space<vmem_shared>>) dst(%arg6 : memref<200x128xf32, #tpu.memory_space<vmem>>)
      %mul3A_52 = arith.constant 200 : i32
      %mul3A_53 = arith.muli %add3A_45, %mul3A_52 : i32
      %add3A_54 = arith.addi %mul3A_2, %mul3A_53 : i32
      %dma_start3A_55 = arith.constant 0 : i32
      %dma_start3A_56 = tpu.memref_slice %arg4[%add3A_54, %dma_start3A_55] : memref<204800x128xf32, #tpu.memory_space<hbm>> -> memref<200x128xf32, #tpu.memory_space<hbm>>
      %dma_start3A_57 = arith.constant 0 : i32
      %dma_start3A_58 = tpu.memref_slice %arg4[%add3A_54, %dma_start3A_57] : memref<204800x128xf32, #tpu.memory_space<hbm>> -> memref<200x128xf32, #tpu.memory_space<hbm>>
      tpu.enqueue_dma source(%arg6 : memref<200x128xf32, #tpu.memory_space<vmem>>) target(%dma_start3A_58 : memref<200x128xf32, #tpu.memory_space<hbm>>) target_semaphore(%arg11 : memref<!tpu.dma_semaphore, #tpu.memory_space<semaphore_mem>>)
      %add3A_59 = arith.constant 1 : i32
      %add3A_60 = arith.addi %add3A_45, %add3A_59 : i32
      %lt3A = arith.constant 32 : i32
      %lt3A_61 = arith.cmpi slt, %add3A_60, %lt3A : i32
      %convert_element_type3A = arith.extui %lt3A_61 : i1 to i32
      %cond3A = arith.constant 0 : i32
      %cond3A_62 = arith.cmpi ne, %convert_element_type3A, %cond3A : i32
      scf.if %cond3A_62 {
        %add3A_135 = arith.constant 1 : i32
        %add3A_136 = arith.addi %add3A_45, %add3A_135 : i32
        %ge3A = arith.constant 4 : i32
        %ge3A_137 = arith.cmpi sge, %add3A_136, %ge3A : i32
        %convert_element_type3A_138 = arith.extui %ge3A_137 : i1 to i32
        %cond3A_139 = arith.constant 0 : i32
        %cond3A_140 = arith.cmpi ne, %convert_element_type3A_138, %cond3A_139 : i32
        scf.if %cond3A_140 {
          %add3A_149 = arith.constant 1 : i32
          %add3A_150 = arith.addi %add3A_45, %add3A_149 : i32
          %sub3A = arith.constant 4 : i32
          %sub3A_151 = arith.subi %add3A_150, %sub3A : i32
          %mul3A_152 = arith.constant 200 : i32
          %mul3A_153 = arith.muli %sub3A_151, %mul3A_152 : i32
          %add3A_154 = arith.addi %mul3A_2, %mul3A_153 : i32
          %dma_wait3A_155 = arith.constant 0 : i32
          %dma_wait3A_156 = tpu.memref_slice %arg4[%add3A_154, %dma_wait3A_155] : memref<204800x128xf32, #tpu.memory_space<hbm>> -> memref<200x128xf32, #tpu.memory_space<hbm>>
          %dma_wait3A_157 = arith.constant 0 : i32
          %dma_wait3A_158 = tpu.memref_slice %arg4[%add3A_154, %dma_wait3A_157] : memref<204800x128xf32, #tpu.memory_space<hbm>> -> memref<200x128xf32, #tpu.memory_space<hbm>>
          tpu.wait_dma2 semaphore(%arg12 : memref<!tpu.dma_semaphore, #tpu.memory_space<semaphore_mem>>) src(%arg7 : memref<200x128xf32, #tpu.memory_space<vmem>>) dst(%dma_wait3A_158 : memref<200x128xf32, #tpu.memory_space<hbm>>)
        } else {
        }
        %add3A_141 = arith.constant 1 : i32
        %add3A_142 = arith.addi %add3A_45, %add3A_141 : i32
        %mul3A_143 = arith.constant 200 : i32
        %mul3A_144 = arith.muli %add3A_142, %mul3A_143 : i32
        %dma_start3A_145 = tpu.memref_slice %arg5[%mul3A_144] : memref<6400xi32, #tpu.memory_space<vmem>> -> memref<200xi32, #tpu.memory_space<vmem>>
        %dma_start3A_146 = arith.constant 0 : i32
        %dma_start3A_147 = arith.constant 0 : i32
        %dma_start3A_148 = tpu.memref_slice %arg10[%dma_start3A_146, %dma_start3A_147] : memref<512x128xf32, #tpu.memory_space<vmem_shared>> -> memref<512x128xf32, #tpu.memory_space<vmem_shared>>
        tpu.enqueue_indirect_dma source(%dma_start3A_148 : memref<512x128xf32, #tpu.memory_space<vmem_shared>>) target(%arg7 : memref<200x128xf32, #tpu.memory_space<vmem>>) offsets(%dma_start3A_145 : memref<200xi32, #tpu.memory_space<vmem>>) semaphore(%arg12 : memref<!tpu.dma_semaphore, #tpu.memory_space<semaphore_mem>>)
      } else {
      }
      %mul3A_63 = arith.constant 4 : i32
      %mul3A_64 = arith.muli %mul3A_63, %scan3A_41 : i32
      %add3A_65 = arith.constant 1 : i32
      %add3A_66 = arith.addi %mul3A_64, %add3A_65 : i32
      %mul3A_67 = arith.constant 200 : i32
      %mul3A_68 = arith.muli %add3A_66, %mul3A_67 : i32
      %dma_wait3A_69 = tpu.memref_slice %arg5[%mul3A_68] : memref<6400xi32, #tpu.memory_space<vmem>> -> memref<200xi32, #tpu.memory_space<vmem>>
      %dma_wait3A_70 = arith.constant 0 : i32
      %dma_wait3A_71 = arith.constant 0 : i32
      %dma_wait3A_72 = tpu.memref_slice %arg10[%dma_wait3A_70, %dma_wait3A_71] : memref<512x128xf32, #tpu.memory_space<vmem_shared>> -> memref<512x128xf32, #tpu.memory_space<vmem_shared>>
      tpu.wait_indirect_dma semaphore(%arg12 : memref<!tpu.dma_semaphore, #tpu.memory_space<semaphore_mem>>) src(%dma_wait3A_72 : memref<512x128xf32, #tpu.memory_space<vmem_shared>>) dst(%arg7 : memref<200x128xf32, #tpu.memory_space<vmem>>)
      %mul3A_73 = arith.constant 200 : i32
      %mul3A_74 = arith.muli %add3A_66, %mul3A_73 : i32
      %add3A_75 = arith.addi %mul3A_2, %mul3A_74 : i32
      %dma_start3A_76 = arith.constant 0 : i32
      %dma_start3A_77 = tpu.memref_slice %arg4[%add3A_75, %dma_start3A_76] : memref<204800x128xf32, #tpu.memory_space<hbm>> -> memref<200x128xf32, #tpu.memory_space<hbm>>
      %dma_start3A_78 = arith.constant 0 : i32
      %dma_start3A_79 = tpu.memref_slice %arg4[%add3A_75, %dma_start3A_78] : memref<204800x128xf32, #tpu.memory_space<hbm>> -> memref<200x128xf32, #tpu.memory_space<hbm>>
      tpu.enqueue_dma source(%arg7 : memref<200x128xf32, #tpu.memory_space<vmem>>) target(%dma_start3A_79 : memref<200x128xf32, #tpu.memory_space<hbm>>) target_semaphore(%arg12 : memref<!tpu.dma_semaphore, #tpu.memory_space<semaphore_mem>>)
      %add3A_80 = arith.constant 1 : i32
      %add3A_81 = arith.addi %add3A_66, %add3A_80 : i32
      %lt3A_82 = arith.constant 32 : i32
      %lt3A_83 = arith.cmpi slt, %add3A_81, %lt3A_82 : i32
      %convert_element_type3A_84 = arith.extui %lt3A_83 : i1 to i32
      %cond3A_85 = arith.constant 0 : i32
      %cond3A_86 = arith.cmpi ne, %convert_element_type3A_84, %cond3A_85 : i32
      scf.if %cond3A_86 {
        %add3A_135 = arith.constant 1 : i32
        %add3A_136 = arith.addi %add3A_66, %add3A_135 : i32
        %ge3A = arith.constant 4 : i32
        %ge3A_137 = arith.cmpi sge, %add3A_136, %ge3A : i32
        %convert_element_type3A_138 = arith.extui %ge3A_137 : i1 to i32
        %cond3A_139 = arith.constant 0 : i32
        %cond3A_140 = arith.cmpi ne, %convert_element_type3A_138, %cond3A_139 : i32
        scf.if %cond3A_140 {
          %add3A_149 = arith.constant 1 : i32
          %add3A_150 = arith.addi %add3A_66, %add3A_149 : i32
          %sub3A = arith.constant 4 : i32
          %sub3A_151 = arith.subi %add3A_150, %sub3A : i32
          %mul3A_152 = arith.constant 200 : i32
          %mul3A_153 = arith.muli %sub3A_151, %mul3A_152 : i32
          %add3A_154 = arith.addi %mul3A_2, %mul3A_153 : i32
          %dma_wait3A_155 = arith.constant 0 : i32
          %dma_wait3A_156 = tpu.memref_slice %arg4[%add3A_154, %dma_wait3A_155] : memref<204800x128xf32, #tpu.memory_space<hbm>> -> memref<200x128xf32, #tpu.memory_space<hbm>>
          %dma_wait3A_157 = arith.constant 0 : i32
          %dma_wait3A_158 = tpu.memref_slice %arg4[%add3A_154, %dma_wait3A_157] : memref<204800x128xf32, #tpu.memory_space<hbm>> -> memref<200x128xf32, #tpu.memory_space<hbm>>
          tpu.wait_dma2 semaphore(%arg13 : memref<!tpu.dma_semaphore, #tpu.memory_space<semaphore_mem>>) src(%arg8 : memref<200x128xf32, #tpu.memory_space<vmem>>) dst(%dma_wait3A_158 : memref<200x128xf32, #tpu.memory_space<hbm>>)
        } else {
        }
        %add3A_141 = arith.constant 1 : i32
        %add3A_142 = arith.addi %add3A_66, %add3A_141 : i32
        %mul3A_143 = arith.constant 200 : i32
        %mul3A_144 = arith.muli %add3A_142, %mul3A_143 : i32
        %dma_start3A_145 = tpu.memref_slice %arg5[%mul3A_144] : memref<6400xi32, #tpu.memory_space<vmem>> -> memref<200xi32, #tpu.memory_space<vmem>>
        %dma_start3A_146 = arith.constant 0 : i32
        %dma_start3A_147 = arith.constant 0 : i32
        %dma_start3A_148 = tpu.memref_slice %arg10[%dma_start3A_146, %dma_start3A_147] : memref<512x128xf32, #tpu.memory_space<vmem_shared>> -> memref<512x128xf32, #tpu.memory_space<vmem_shared>>
        tpu.enqueue_indirect_dma source(%dma_start3A_148 : memref<512x128xf32, #tpu.memory_space<vmem_shared>>) target(%arg8 : memref<200x128xf32, #tpu.memory_space<vmem>>) offsets(%dma_start3A_145 : memref<200xi32, #tpu.memory_space<vmem>>) semaphore(%arg13 : memref<!tpu.dma_semaphore, #tpu.memory_space<semaphore_mem>>)
      } else {
      }
      %mul3A_87 = arith.constant 4 : i32
      %mul3A_88 = arith.muli %mul3A_87, %scan3A_41 : i32
      %add3A_89 = arith.constant 2 : i32
      %add3A_90 = arith.addi %mul3A_88, %add3A_89 : i32
      %mul3A_91 = arith.constant 200 : i32
      %mul3A_92 = arith.muli %add3A_90, %mul3A_91 : i32
      %dma_wait3A_93 = tpu.memref_slice %arg5[%mul3A_92] : memref<6400xi32, #tpu.memory_space<vmem>> -> memref<200xi32, #tpu.memory_space<vmem>>
      %dma_wait3A_94 = arith.constant 0 : i32
      %dma_wait3A_95 = arith.constant 0 : i32
      %dma_wait3A_96 = tpu.memref_slice %arg10[%dma_wait3A_94, %dma_wait3A_95] : memref<512x128xf32, #tpu.memory_space<vmem_shared>> -> memref<512x128xf32, #tpu.memory_space<vmem_shared>>
      tpu.wait_indirect_dma semaphore(%arg13 : memref<!tpu.dma_semaphore, #tpu.memory_space<semaphore_mem>>) src(%dma_wait3A_96 : memref<512x128xf32, #tpu.memory_space<vmem_shared>>) dst(%arg8 : memref<200x128xf32, #tpu.memory_space<vmem>>)
      %mul3A_97 = arith.constant 200 : i32
      %mul3A_98 = arith.muli %add3A_90, %mul3A_97 : i32
      %add3A_99 = arith.addi %mul3A_2, %mul3A_98 : i32
      %dma_start3A_100 = arith.constant 0 : i32
      %dma_start3A_101 = tpu.memref_slice %arg4[%add3A_99, %dma_start3A_100] : memref<204800x128xf32, #tpu.memory_space<hbm>> -> memref<200x128xf32, #tpu.memory_space<hbm>>
      %dma_start3A_102 = arith.constant 0 : i32
      %dma_start3A_103 = tpu.memref_slice %arg4[%add3A_99, %dma_start3A_102] : memref<204800x128xf32, #tpu.memory_space<hbm>> -> memref<200x128xf32, #tpu.memory_space<hbm>>
      tpu.enqueue_dma source(%arg8 : memref<200x128xf32, #tpu.memory_space<vmem>>) target(%dma_start3A_103 : memref<200x128xf32, #tpu.memory_space<hbm>>) target_semaphore(%arg13 : memref<!tpu.dma_semaphore, #tpu.memory_space<semaphore_mem>>)
      %add3A_104 = arith.constant 1 : i32
      %add3A_105 = arith.addi %add3A_90, %add3A_104 : i32
      %lt3A_106 = arith.constant 32 : i32
      %lt3A_107 = arith.cmpi slt, %add3A_105, %lt3A_106 : i32
      %convert_element_type3A_108 = arith.extui %lt3A_107 : i1 to i32
      %cond3A_109 = arith.constant 0 : i32
      %cond3A_110 = arith.cmpi ne, %convert_element_type3A_108, %cond3A_109 : i32
      scf.if %cond3A_110 {
        %add3A_135 = arith.constant 1 : i32
        %add3A_136 = arith.addi %add3A_90, %add3A_135 : i32
        %ge3A = arith.constant 4 : i32
        %ge3A_137 = arith.cmpi sge, %add3A_136, %ge3A : i32
        %convert_element_type3A_138 = arith.extui %ge3A_137 : i1 to i32
        %cond3A_139 = arith.constant 0 : i32
        %cond3A_140 = arith.cmpi ne, %convert_element_type3A_138, %cond3A_139 : i32
        scf.if %cond3A_140 {
          %add3A_149 = arith.constant 1 : i32
          %add3A_150 = arith.addi %add3A_90, %add3A_149 : i32
          %sub3A = arith.constant 4 : i32
          %sub3A_151 = arith.subi %add3A_150, %sub3A : i32
          %mul3A_152 = arith.constant 200 : i32
          %mul3A_153 = arith.muli %sub3A_151, %mul3A_152 : i32
          %add3A_154 = arith.addi %mul3A_2, %mul3A_153 : i32
          %dma_wait3A_155 = arith.constant 0 : i32
          %dma_wait3A_156 = tpu.memref_slice %arg4[%add3A_154, %dma_wait3A_155] : memref<204800x128xf32, #tpu.memory_space<hbm>> -> memref<200x128xf32, #tpu.memory_space<hbm>>
          %dma_wait3A_157 = arith.constant 0 : i32
          %dma_wait3A_158 = tpu.memref_slice %arg4[%add3A_154, %dma_wait3A_157] : memref<204800x128xf32, #tpu.memory_space<hbm>> -> memref<200x128xf32, #tpu.memory_space<hbm>>
          tpu.wait_dma2 semaphore(%arg14 : memref<!tpu.dma_semaphore, #tpu.memory_space<semaphore_mem>>) src(%arg9 : memref<200x128xf32, #tpu.memory_space<vmem>>) dst(%dma_wait3A_158 : memref<200x128xf32, #tpu.memory_space<hbm>>)
        } else {
        }
        %add3A_141 = arith.constant 1 : i32
        %add3A_142 = arith.addi %add3A_90, %add3A_141 : i32
        %mul3A_143 = arith.constant 200 : i32
        %mul3A_144 = arith.muli %add3A_142, %mul3A_143 : i32
        %dma_start3A_145 = tpu.memref_slice %arg5[%mul3A_144] : memref<6400xi32, #tpu.memory_space<vmem>> -> memref<200xi32, #tpu.memory_space<vmem>>
        %dma_start3A_146 = arith.constant 0 : i32
        %dma_start3A_147 = arith.constant 0 : i32
        %dma_start3A_148 = tpu.memref_slice %arg10[%dma_start3A_146, %dma_start3A_147] : memref<512x128xf32, #tpu.memory_space<vmem_shared>> -> memref<512x128xf32, #tpu.memory_space<vmem_shared>>
        tpu.enqueue_indirect_dma source(%dma_start3A_148 : memref<512x128xf32, #tpu.memory_space<vmem_shared>>) target(%arg9 : memref<200x128xf32, #tpu.memory_space<vmem>>) offsets(%dma_start3A_145 : memref<200xi32, #tpu.memory_space<vmem>>) semaphore(%arg14 : memref<!tpu.dma_semaphore, #tpu.memory_space<semaphore_mem>>)
      } else {
      }
      %mul3A_111 = arith.constant 4 : i32
      %mul3A_112 = arith.muli %mul3A_111, %scan3A_41 : i32
      %add3A_113 = arith.constant 3 : i32
      %add3A_114 = arith.addi %mul3A_112, %add3A_113 : i32
      %mul3A_115 = arith.constant 200 : i32
      %mul3A_116 = arith.muli %add3A_114, %mul3A_115 : i32
      %dma_wait3A_117 = tpu.memref_slice %arg5[%mul3A_116] : memref<6400xi32, #tpu.memory_space<vmem>> -> memref<200xi32, #tpu.memory_space<vmem>>
      %dma_wait3A_118 = arith.constant 0 : i32
      %dma_wait3A_119 = arith.constant 0 : i32
      %dma_wait3A_120 = tpu.memref_slice %arg10[%dma_wait3A_118, %dma_wait3A_119] : memref<512x128xf32, #tpu.memory_space<vmem_shared>> -> memref<512x128xf32, #tpu.memory_space<vmem_shared>>
      tpu.wait_indirect_dma semaphore(%arg14 : memref<!tpu.dma_semaphore, #tpu.memory_space<semaphore_mem>>) src(%dma_wait3A_120 : memref<512x128xf32, #tpu.memory_space<vmem_shared>>) dst(%arg9 : memref<200x128xf32, #tpu.memory_space<vmem>>)
      %mul3A_121 = arith.constant 200 : i32
      %mul3A_122 = arith.muli %add3A_114, %mul3A_121 : i32
      %add3A_123 = arith.addi %mul3A_2, %mul3A_122 : i32
      %dma_start3A_124 = arith.constant 0 : i32
      %dma_start3A_125 = tpu.memref_slice %arg4[%add3A_123, %dma_start3A_124] : memref<204800x128xf32, #tpu.memory_space<hbm>> -> memref<200x128xf32, #tpu.memory_space<hbm>>
      %dma_start3A_126 = arith.constant 0 : i32
      %dma_start3A_127 = tpu.memref_slice %arg4[%add3A_123, %dma_start3A_126] : memref<204800x128xf32, #tpu.memory_space<hbm>> -> memref<200x128xf32, #tpu.memory_space<hbm>>
      tpu.enqueue_dma source(%arg9 : memref<200x128xf32, #tpu.memory_space<vmem>>) target(%dma_start3A_127 : memref<200x128xf32, #tpu.memory_space<hbm>>) target_semaphore(%arg14 : memref<!tpu.dma_semaphore, #tpu.memory_space<semaphore_mem>>)
      %add3A_128 = arith.constant 1 : i32
      %add3A_129 = arith.addi %add3A_114, %add3A_128 : i32
      %lt3A_130 = arith.constant 32 : i32
      %lt3A_131 = arith.cmpi slt, %add3A_129, %lt3A_130 : i32
      %convert_element_type3A_132 = arith.extui %lt3A_131 : i1 to i32
      %cond3A_133 = arith.constant 0 : i32
      %cond3A_134 = arith.cmpi ne, %convert_element_type3A_132, %cond3A_133 : i32
      scf.if %cond3A_134 {
        %add3A_135 = arith.constant 1 : i32
        %add3A_136 = arith.addi %add3A_114, %add3A_135 : i32
        %ge3A = arith.constant 4 : i32
        %ge3A_137 = arith.cmpi sge, %add3A_136, %ge3A : i32
        %convert_element_type3A_138 = arith.extui %ge3A_137 : i1 to i32
        %cond3A_139 = arith.constant 0 : i32
        %cond3A_140 = arith.cmpi ne, %convert_element_type3A_138, %cond3A_139 : i32
        scf.if %cond3A_140 {
          %add3A_149 = arith.constant 1 : i32
          %add3A_150 = arith.addi %add3A_114, %add3A_149 : i32
          %sub3A = arith.constant 4 : i32
          %sub3A_151 = arith.subi %add3A_150, %sub3A : i32
          %mul3A_152 = arith.constant 200 : i32
          %mul3A_153 = arith.muli %sub3A_151, %mul3A_152 : i32
          %add3A_154 = arith.addi %mul3A_2, %mul3A_153 : i32
          %dma_wait3A_155 = arith.constant 0 : i32
          %dma_wait3A_156 = tpu.memref_slice %arg4[%add3A_154, %dma_wait3A_155] : memref<204800x128xf32, #tpu.memory_space<hbm>> -> memref<200x128xf32, #tpu.memory_space<hbm>>
          %dma_wait3A_157 = arith.constant 0 : i32
          %dma_wait3A_158 = tpu.memref_slice %arg4[%add3A_154, %dma_wait3A_157] : memref<204800x128xf32, #tpu.memory_space<hbm>> -> memref<200x128xf32, #tpu.memory_space<hbm>>
          tpu.wait_dma2 semaphore(%arg11 : memref<!tpu.dma_semaphore, #tpu.memory_space<semaphore_mem>>) src(%arg6 : memref<200x128xf32, #tpu.memory_space<vmem>>) dst(%dma_wait3A_158 : memref<200x128xf32, #tpu.memory_space<hbm>>)
        } else {
        }
        %add3A_141 = arith.constant 1 : i32
        %add3A_142 = arith.addi %add3A_114, %add3A_141 : i32
        %mul3A_143 = arith.constant 200 : i32
        %mul3A_144 = arith.muli %add3A_142, %mul3A_143 : i32
        %dma_start3A_145 = tpu.memref_slice %arg5[%mul3A_144] : memref<6400xi32, #tpu.memory_space<vmem>> -> memref<200xi32, #tpu.memory_space<vmem>>
        %dma_start3A_146 = arith.constant 0 : i32
        %dma_start3A_147 = arith.constant 0 : i32
        %dma_start3A_148 = tpu.memref_slice %arg10[%dma_start3A_146, %dma_start3A_147] : memref<512x128xf32, #tpu.memory_space<vmem_shared>> -> memref<512x128xf32, #tpu.memory_space<vmem_shared>>
        tpu.enqueue_indirect_dma source(%dma_start3A_148 : memref<512x128xf32, #tpu.memory_space<vmem_shared>>) target(%arg6 : memref<200x128xf32, #tpu.memory_space<vmem>>) offsets(%dma_start3A_145 : memref<200xi32, #tpu.memory_space<vmem>>) semaphore(%arg11 : memref<!tpu.dma_semaphore, #tpu.memory_space<semaphore_mem>>)
      } else {
      }
    }
    %scan3A_16 = arith.constant 8 : i32
    %add3A_17 = arith.constant 5600 : i32
    %add3A_18 = arith.addi %mul3A_2, %add3A_17 : i32
    %dma_wait3A_19 = arith.constant 0 : i32
    %dma_wait3A_20 = tpu.memref_slice %arg4[%add3A_18, %dma_wait3A_19] : memref<204800x128xf32, #tpu.memory_space<hbm>> -> memref<200x128xf32, #tpu.memory_space<hbm>>
    %dma_wait3A_21 = arith.constant 0 : i32
    %dma_wait3A_22 = tpu.memref_slice %arg4[%add3A_18, %dma_wait3A_21] : memref<204800x128xf32, #tpu.memory_space<hbm>> -> memref<200x128xf32, #tpu.memory_space<hbm>>
    tpu.wait_dma2 semaphore(%arg11 : memref<!tpu.dma_semaphore, #tpu.memory_space<semaphore_mem>>) src(%arg6 : memref<200x128xf32, #tpu.memory_space<vmem>>) dst(%dma_wait3A_22 : memref<200x128xf32, #tpu.memory_space<hbm>>)
    %add3A_23 = arith.constant 5800 : i32
    %add3A_24 = arith.addi %mul3A_2, %add3A_23 : i32
    %dma_wait3A_25 = arith.constant 0 : i32
    %dma_wait3A_26 = tpu.memref_slice %arg4[%add3A_24, %dma_wait3A_25] : memref<204800x128xf32, #tpu.memory_space<hbm>> -> memref<200x128xf32, #tpu.memory_space<hbm>>
    %dma_wait3A_27 = arith.constant 0 : i32
    %dma_wait3A_28 = tpu.memref_slice %arg4[%add3A_24, %dma_wait3A_27] : memref<204800x128xf32, #tpu.memory_space<hbm>> -> memref<200x128xf32, #tpu.memory_space<hbm>>
    tpu.wait_dma2 semaphore(%arg12 : memref<!tpu.dma_semaphore, #tpu.memory_space<semaphore_mem>>) src(%arg7 : memref<200x128xf32, #tpu.memory_space<vmem>>) dst(%dma_wait3A_28 : memref<200x128xf32, #tpu.memory_space<hbm>>)
    %add3A_29 = arith.constant 6000 : i32
    %add3A_30 = arith.addi %mul3A_2, %add3A_29 : i32
    %dma_wait3A_31 = arith.constant 0 : i32
    %dma_wait3A_32 = tpu.memref_slice %arg4[%add3A_30, %dma_wait3A_31] : memref<204800x128xf32, #tpu.memory_space<hbm>> -> memref<200x128xf32, #tpu.memory_space<hbm>>
    %dma_wait3A_33 = arith.constant 0 : i32
    %dma_wait3A_34 = tpu.memref_slice %arg4[%add3A_30, %dma_wait3A_33] : memref<204800x128xf32, #tpu.memory_space<hbm>> -> memref<200x128xf32, #tpu.memory_space<hbm>>
    tpu.wait_dma2 semaphore(%arg13 : memref<!tpu.dma_semaphore, #tpu.memory_space<semaphore_mem>>) src(%arg8 : memref<200x128xf32, #tpu.memory_space<vmem>>) dst(%dma_wait3A_34 : memref<200x128xf32, #tpu.memory_space<hbm>>)
    %add3A_35 = arith.constant 6200 : i32
    %add3A_36 = arith.addi %mul3A_2, %add3A_35 : i32
    %dma_wait3A_37 = arith.constant 0 : i32
    %dma_wait3A_38 = tpu.memref_slice %arg4[%add3A_36, %dma_wait3A_37] : memref<204800x128xf32, #tpu.memory_space<hbm>> -> memref<200x128xf32, #tpu.memory_space<hbm>>
    %dma_wait3A_39 = arith.constant 0 : i32
    %dma_wait3A_40 = tpu.memref_slice %arg4[%add3A_36, %dma_wait3A_39] : memref<204800x128xf32, #tpu.memory_space<hbm>> -> memref<200x128xf32, #tpu.memory_space<hbm>>
    tpu.wait_dma2 semaphore(%arg14 : memref<!tpu.dma_semaphore, #tpu.memory_space<semaphore_mem>>) src(%arg9 : memref<200x128xf32, #tpu.memory_space<vmem>>) dst(%dma_wait3A_40 : memref<200x128xf32, #tpu.memory_space<hbm>>)
    return
  }
}

</mosaic_0001>

<sc_bundles>
// kernel: kernel.3.cloned.1.call-start
scs
__scs_entry_jumppad:
0x0: {  	(pc) =	sbr.rel $0x88, $3  }
0x1: {  	(tag) =	ssettag $0x0;
	lr =	simm.s32 $0x1  }
0x2: {  	[smem:$0x3F9F] =	sst lr;
	_ =	strace $0xD0000000  }
0x3: {  	_ = 	snop  }
0x4: {  	_ = 	snop  }
0x5: {  	_ = 	snop  }
0x6: {  	_ = 	snop  }
0x7: {  	_ = 	snop  }
__scs_overlays_trampoline_lowered:
0x8: {  	[smem:$0x3FAE] =	sst s0  }
0x9: {  	[smem:$0x3FAF] =	sst s1  }
0xa: {  	[smem:$0x3FB0] =	sst s2  }
0xb: {  	[smem:$0x3FB1] =	sst s3  }
0xc: {  	[smem:$0x3FB2] =	sst s4  }
0xd: {  	[smem:$0x3FB3] =	sst s5  }
0xe: {  	[smem:$0x3FB4] =	sst s6  }
0xf: {  	[smem:$0x3FB5] =	sst s7  }
0x10: {  	[smem:$0x3FB6] =	sst s8  }
0x11: {  	[smem:$0x3FB7] =	sst s9;
	s0 =	simm.s32 @!p0 $0x0  }
0x12: {  	s1 =	sld [smem:$0x3F9D];
	s0 =	simm.s32 @p0 $0x1  }
0x13: {  	[smem:$0x3FB8] =	sst s0;
	s0 =	simm.s32 @!p1 $0x0  }
0x14: {  	s2 =	sld [smem:$0x3F9C];
	s0 =	simm.s32 @p1 $0x1  }
0x15: {  	[smem:$0x3FB9] =	sst s0;
	s0 =	simm.s32 @!p2 $0x0  }
0x16: {  	s3 =	sld [smem:$0x3FDB];
	s0 =	simm.s32 @p2 $0x1  }
0x17: {  	s4 =	simm.s32 $0x1BF5;
	[smem:$0x3FBB] =	sst s0  }
0x18: {  	s0 =	sld [smem:$0x3F9E];
	_ =	swait.ge [sflag:s4], $0x0  }
0x19: {  	s7 =	sld [smem:$0x3F9F]  }
0x1a: {  	s8 =	sadd.s32 $0xFFFFE003, lr  }
0x1b: {  	s9 =	sadd.s32 $0xFFFFFEF7, lr;
	s5 =	simm.s32 $0xFFFFFFFF;
	p2 =	slt.u32 s8, $0xFFFFF086  }
0x1c: {  	p1 =	slt.u32 s9, $0xF7A;
	s5 =	simm.s32 @!p2 $0x0  }
0x1d: {  	s5 =	simm.s32 @p1 $0x1;
	p0 =	seq.s32 s7, s2  }
0x1e: {  	s7 =	smul.u32 @!p0 $0xF7A, s2;
	p2 =	seq.s32 @!p0 s5, $0x0  }
0x1f: {  	s9 =	smul.u32 $0xF7A, s1;
	s8 =	simm.s32 @!p0 $0x1BF5;
	p2 =	por !p2, p0  }
0x20: {  	[sflag:s8] =	ssyncset.s32 @!p0 $0xFFFFF086;
	s6 =	sadd.s32 @!p0 s3, s7;
	s7 =	simm.s32 @!p0 $0x108  }
0x21: {  	s3 =	sadd.s32 s3, s9;
	s6 =	sadd.s32 @!p0 $0x88, s6;
	s7 =	simm.s32 @p2 $0x1082  }
0x22: {  	[simem:s7], [sflag:s8] =	dma.local @!p0 [hbm:s6], $0xF7A  }
0x23: {  	s9 =	sor.u32 $0xD0000000, s2;
	s6 =	simm.s32 $0x108;
	_ =	swait.ge @!p0 [sflag:s8], $0x0  }
0x24: {  	s3 =	sadd.s32 $0x88, s3;
	s6 =	simm.s32 @!p1 $0x1082;
	[sflag:s4] =	ssyncset.s32 $0xFFFFF086  }
0x25: {  	[simem:s6], [sflag:s4] =	dma.local [hbm:s3], $0xF7A  }
0x26: {  	[smem:$0x3F9F] =	sst s1;
	(tag) =	ssettag s2;
	_ =	strace s9  }
0x27: {  	s1 =	sld [smem:$0x3FAF]  }
0x28: {  	s2 =	sld [smem:$0x3FB0]  }
0x29: {  	s4 =	sld [smem:$0x3FB2]  }
0x2a: {  	p0 =	seq.s32 s5, $0x0;
	s5 =	sld [smem:$0x3FB3]  }
0x2b: {  	s6 =	sld [smem:$0x3FB4]  }
0x2c: {  	s7 =	sld [smem:$0x3FB5]  }
0x2d: {  	s3 =	simm.s32 $0x108;
	s8 =	sld [smem:$0x3FB6]  }
0x2e: {  	s3 =	simm.s32 @!p0 $0x1082;
	s9 =	sld [smem:$0x3FB7]  }
0x2f: {  	lr =	sadd.s32 s0, s3;
	s0 =	sld [smem:$0x3FAE]  }
0x30: {  	s3 =	sld [smem:$0x3FB1]  }
0x31: {  	[smem:$0x3FBA] =	sst s10  }
0x32: {  	s10 =	sld [smem:$0x3FB8];
	_ =	sdelay $0x3  }
0x33: {  	p0 =	seq.s32 s10, $0x1;
	s10 =	sld [smem:$0x3FBA];
	_ =	sdelay $0x3  }
0x34: {  	[smem:$0x3FBA] =	sst s10  }
0x35: {  	s10 =	sld [smem:$0x3FB9];
	_ =	sdelay $0x3  }
0x36: {  	p1 =	seq.s32 s10, $0x1;
	s10 =	sld [smem:$0x3FBA];
	_ =	sdelay $0x3  }
0x37: {  	[smem:$0x3FBA] =	sst s10  }
0x38: {  	s10 =	sld [smem:$0x3FBB]  }
0x39: {  	_ = 	snop;
	(pc) =	sbr.ind lr, $3  }
0x3a: {  	_ = 	snop  }
0x3b: {  	_ = 	snop  }
0x3c: {  	p2 =	seq.s32 s10, $0x1;
	s10 =	sld [smem:$0x3FBA]  }
0x3d: {  	_ =	shalt  }
0x3e: {  	_ =	shalt  }
0x3f: {  	_ =	shalt  }
0x40: {  	_ =	shalt  }
0x41: {  	_ =	shalt  }
0x42: {  	_ =	shalt  }
0x43: {  	_ =	shalt  }
0x44: {  	_ =	shalt  }
0x45: {  	_ =	shalt  }
0x46: {  	_ =	shalt  }
0x47: {  	_ =	shalt  }
0x48: {  	_ =	shalt  }
0x49: {  	_ =	shalt  }
0x4a: {  	_ =	shalt  }
0x4b: {  	_ =	shalt  }
0x4c: {  	_ =	shalt  }
0x4d: {  	_ =	shalt  }
0x4e: {  	_ =	shalt  }
0x4f: {  	_ =	shalt  }
0x50: {  	_ =	shalt  }
0x51: {  	_ =	shalt  }
0x52: {  	_ =	shalt  }
0x53: {  	_ =	shalt  }
0x54: {  	_ =	shalt  }
0x55: {  	_ =	shalt  }
0x56: {  	_ =	shalt  }
0x57: {  	_ =	shalt  }
0x58: {  	_ =	shalt  }
0x59: {  	_ =	shalt  }
0x5a: {  	_ =	shalt  }
0x5b: {  	_ =	shalt  }
0x5c: {  	_ =	shalt  }
0x5d: {  	_ =	shalt  }
0x5e: {  	_ =	shalt  }
0x5f: {  	_ =	shalt  }
0x60: {  	_ =	shalt  }
0x61: {  	_ =	shalt  }
0x62: {  	_ =	shalt  }
0x63: {  	_ =	shalt  }
0x64: {  	_ =	shalt  }
0x65: {  	_ =	shalt  }
0x66: {  	_ =	shalt  }
0x67: {  	_ =	shalt  }
0x68: {  	_ =	shalt  }
0x69: {  	_ =	shalt  }
0x6a: {  	_ =	shalt  }
0x6b: {  	_ =	shalt  }
0x6c: {  	_ =	shalt  }
0x6d: {  	_ =	shalt  }
0x6e: {  	_ =	shalt  }
0x6f: {  	_ =	shalt  }
0x70: {  	_ =	shalt  }
0x71: {  	_ =	shalt  }
0x72: {  	_ =	shalt  }
0x73: {  	_ =	shalt  }
0x74: {  	_ =	shalt  }
0x75: {  	_ =	shalt  }
0x76: {  	_ =	shalt  }
0x77: {  	_ =	shalt  }
0x78: {  	_ =	shalt  }
0x79: {  	_ =	shalt  }
0x7a: {  	_ =	shalt  }
0x7b: {  	_ =	shalt  }
0x7c: {  	_ =	shalt  }
0x7d: {  	_ =	shalt  }
0x7e: {  	_ =	shalt  }
0x7f: {  	_ =	shalt  }
0x80: {  	_ =	shalt  }
0x81: {  	_ =	shalt  }
0x82: {  	_ =	shalt  }
0x83: {  	_ =	shalt  }
0x84: {  	_ =	shalt  }
0x85: {  	_ =	shalt  }
0x86: {  	_ =	shalt  }
0x87: {  	_ =	shalt  }
.Lfunc_end0:
.L_simem_size_0:
called_computation_lowered:
.L_overlay_start_0:
0x88: {  	s2 =	sld [smem:$0x3FD9]  }
0x89: {  	s3 =	sld [smem:$0x3FFE];
	_ =	sdelay $0x1  }
0x8a: {  	s1 =	srdreg.scid  }
0x8b: {  	s0 =	sand.u32 $0x1, s1  }
0x8c: {  	s17 =	sshll.u32 s0, $0xA;
	s2 =	sadd.s32 s3, s2  }
0x8d: {  	s2 =	sadd.s32 s2, s17  }
0x8e: {  	[smem:$0x3FC6] =	sst s2  }
0x8f: {  	_ = 	snop  }
0x90: {  	s2 =	sld [smem:$0x3FC8]  }
0x91: {  	s18 =	sld [smem:$0x3FD0];
	(tm) =	ssettm $0x1  }
0x92: {  	s4 =	sld [smem:$0x3FFB];
	_ =	sdelay $0x3  }
0x93: {  	_ =	strace s4  }
0x94: {  	s4 =	sld [smem:$0x3FFC];
	_ =	sdelay $0x3  }
0x95: {  	_ =	strace s4  }
0x96: {  	s4 =	sld [smem:$0x3FFD];
	_ =	sdelay $0x3  }
0x97: {  	_ =	strace s4  }
0x98: {  	_ =	strace $0x8FFFFFFF  }
0x99: {  	s19 =	sld [smem:$0x3FDB];
	_ =	sdelay $0x1  }
0x9a: {  	s5 =	simm.s32 $_scs_section_size  }
0x9b: {  	s6 =	simm.s32 $_size__tile_overlayer_lowered;
	s7 =	simm.s32 $_tile_overlayer_lowered  }
0x9c: {  	s22 =	simm.s32 $0x1BFF;
	s21 =	sshll.u32 s7, $0x1;
	s4 =	sadd.s32 s5, s19  }
0x9d: {  	s8 =	simm.s32 $0x0;
	s20 =	sshll.u32 s6, $0x1;
	s6 =	sadd.s32 s21, s4  }
0x9e: {  	[timem:s8], [sflag:s22] =	dma.local [hbm:s6], s20  }
0x9f: {  	_ =	swait.ge [sflag:s22], s20  }
0xa0: {  	s5 =	ssub.s32 $0x0, s20;
	[sflag:s22] =	ssyncset.done $0x0  }
0xa1: {  	[sflag:s22] =	ssyncadd.s32 s5;
	_ =	sdelay $0x1  }
0xa2: {  	s23 =	simm.s32 $0x1B8B  }
0xa3: {  	_ =	swait.ge [sflag:s23], $0x1  }
0xa4: {  	[sflag:s23] =	ssyncset.done $0x0  }
0xa5: {  	s25 =	simm.s32 $0x1B8E;
	s24 =	sld [smem:$0x3FFE];
	[sflag:s23] =	ssyncadd.s32 $0xFFFFFFFF  }
0xa6: {  	s26 =	simm.s32 $execute0_lowered;
	[smem:$0x3FD2] =	sst s25  }
0xa7: {  	s6 =	sshll.u32 s26, $0x1;
	_ =	strace $0x80000046;
	[dreg:$0x1] =	wrdreg $0xFFFFFFFF  }
0xa8: {  	s28 =	simm.s32 $_size_execute0_lowered;
	s4 =	sadd.s32 s4, s6;
	[dreg:$0x0] =	wrdreg $0x0  }
0xa9: {  	s6 =	sshll.u32 s28, $0x1;
	[dreg:$0x2] =	wrdreg s4  }
0xaa: {  	[dreg:$0x3] =	wrdreg s6  }
0xab: {  	[dreg:$0x4] =	wrdreg $0xC0  }
0xac: {  	_ =	task [dreg:s8], $0x5FFFF  }
0xad: {  	[dreg:$0x1] =	wrdreg $0xFFFFFFFF  }
0xae: {  	[dreg:$0x0] =	wrdreg $0x60  }
0xaf: {  	[dreg:$0x2] =	wrdreg s2  }
0xb0: {  	[dreg:$0x3] =	wrdreg s24  }
0xb1: {  	[dreg:$0x4] =	wrdreg s18  }
0xb2: {  	[dreg:$0x5] =	wrdreg $0x1A9000  }
0xb3: {  	[dreg:$0x6] =	wrdreg $0x9  }
0xb4: {  	_ =	task.clear_ibuf [dreg:s8], $0x7FFFF;
	_ =	strace $0x90000046  }
0xb5: {  	s29 =	simm.s32 $0x9;
	_ =	strace $0x80000048  }
0xb6: {  	_ =	swait.ge [sflag:s29], $0x1  }
0xb7: {  	[sflag:s29] =	ssyncadd.s32 $0xFFFFFFFF  }
0xb8: {  	_ =	strace $0x90000048  }
0xb9: {  	_ =	sfence  }
0xba: {  	s30 =	sld [smem:$0x0];
	_ =	sdelay $0x2  }
0xbb: {  	s31 =	sshll.u32 s1, $0xD;
	s1 =	sshrl.u32 s1, $0x2  }
0xbc: {  	s3 =	sand.u32 $0x4000, s31;
	s1 =	sadd.s32 s1, s30  }
0xbd: {  	s0 =	sor.u32 s3, s0;
	s1 =	sshll.u32 s1, $0x11  }
0xbe: {  	s0 =	sor.u32 s1, s0  }
0xbf: {  	s0 =	sadd.s32 $0x8F2B, s0  }
0xc0: {  	[sflag:s0] =	ssyncadd.remote.s32 $0x1  }
0xc1: {  	_ =	sfence.sel $0xFFFF  }
0xc2: {  	[dreg:$0x0] =	wrdreg $0xFFFFFFFF;
	(pc) =	sbr.abs _section_cstart, $3  }
0xc3: {  	[dreg:$0x1] =	wrdreg $0xFFFFFFFF  }
0xc4: {  	_ =	task.clear_ibuf [dreg:s8], $0x2FFFF;
	_ =	strace $0x9FFFFFFF  }
0xc5: {  	(tm) =	ssettm $0x7FFFFFFF  }
tec
execute0_lowered:
.L_overlay_start_1:
0x0: {  	(tag) =	ssettag $0x1  }
0x1: {  	s5 =	rddreg [dreg:$0x0]  }
0x2: {  	s1 =	srdreg.scid;
	s4 =	rddreg [dreg:$0x1]  }
0x3: {  	s0 =	stileid.u32;
	s7 =	rddreg [dreg:$0x2]  }
0x4: {  	s2 =	rddreg [dreg:$0x3];
	s3 =	simm.s32 $0x0;
	s13 =	simm.s32 $0x1900  }
0x5: {  	s14 =	simm.s32 $0x7D00;
	s15 =	simm.s32 $0x2;
	s16 =	simm.s32 $0xE100  }
0x6: {  	s17 =	simm.s32 $0x3;
	s18 =	simm.s32 $0x14500;
	s19 =	simm.s32 $0x4  }
0x7: {  	s20 =	simm.s32 $0x0;
	s6 =	sand.u32 $0x1, s1;
	s26 =	sshll.u32 s0, $0x1  }
0x8: {  	[smem:$0x7FF] =	sst s3;
	s29 =	sshll.u32 s0, $0xC;
	s30 =	smul.u32 $0x32000, s0  }
0x9: {  	s11 =	sshll.u32 s0, $0x9;
	s31 =	sshll.u32 s0, $0x6;
	s1 =	sor.u32 s6, s26  }
0xa: {  	s9 =	ssub.s32 $0x2, s6;
	s12 =	smul.u32 $0x19000, s6;
	s5 =	sadd.s32 s5, s11  }
0xb: {  	s6 =	sor.u32 $0x1C05, s31;
	s11 =	simm.s32 $0x1;
	s8 =	smul.u32 $0x1900, s1  }
.Ltmp0:
0xc: {  	s1 =	rddreg [dreg:$0x4];
	s10 =	sshrl.u32 s9, $0x1;
	(pc) =	sbr.rel .LBB2_1-.Ltmp0, $4  }
0xd: {  	_ =	strace $0x80000047;
	s28 =	ssub.s32 s9, s10;
	s9 =	sadd.s32 s29, s2  }
0xe: {  	s10 =	sadd.s32 s30, s7;
	s8 =	sshrl.u32 s8, $0x3;
	s7 =	smax.u32 s28, $0x1  }
0xf: {  	s9 =	sshrl.u32 s9, $0x3;
	s4 =	sadd.s32 s8, s4;
	s8 =	sadd.s32 s12, s10  }
0x10: {  	s10 =	simm.s32 $0x5;
	s12 =	simm.s32 $0xC8;
	s4 =	sadd.s32 $0x400, s4  }
.LBB2_4:
0x11: {  	_ =	swait.ge [sflag:s15], $0x6400  }
0x12: {  	[sflag:s15] =	ssyncset.done $0x0  }
0x13: {  	s20 =	sadd.s32 $0x1, s20;
	[sflag:s15] =	ssyncadd.s32 $0xFFFF9C00  }
0x14: {  	p0 =	sne.s32 s20, s7;
	_ =	swait.ge [sflag:s17], $0x6400  }
.Ltmp1:
0x15: {  	[sflag:s17] =	ssyncset.done $0x0;
	(pc) =	sbr.rel @!p0 .LBB2_5-.Ltmp1, $4  }
0x16: {  	[sflag:s17] =	ssyncadd.s32 $0xFFFF9C00  }
0x17: {  	_ =	swait.ge [sflag:s19], $0x6400  }
0x18: {  	[sflag:s19] =	ssyncset.done $0x0  }
0x19: {  	[sflag:s19] =	ssyncadd.s32 $0xFFFF9C00  }
.LBB2_1:
0x1a: {  	[tilespmem:s3], [sflag:$0x1] =	stream.linear.gather [hbm4b:s4+s3], $0x1900, $0x38;
	[tilespmem:$0x1B900] =	vst v63  }
0x1b: {  	[spmem:s9], [sflag:s6] =	dma.local [hbm:s5], $0x200  }
0x1c: {  	_ =	swait.ge [sflag:s10], $0x200  }
0x1d: {  	[sflag:s10] =	ssyncset.done $0x0  }
0x1e: {  	[sflag:s10] =	ssyncadd.s32 $0xFFFFFE00  }
0x1f: {  	[bflag:$0x0] =	sbarrier.arrive $0xFFFF  }
0x20: {  	_ =	swait.ge [sflag:s11], $0x1900  }
0x21: {  	[sflag:s11] =	ssyncset.done $0x0  }
0x22: {  	s21 =	smov.u32 s8;
	s22 =	simm.s32 $0x0;
	[sflag:s11] =	ssyncadd.s32 $0xFFFFE700  }
0x23: {  	[tilespmem:s13], [sflag:$0x1] =	stream.indirect.gather [spmem:s2], $0x80, s3, s12, $0xb8;
	[tilespmem:$0x1B900] =	vst v63  }
.LBB2_2:
0x24: {  	_ =	swait.ge [sflag:s11], $0x6400  }
0x25: {  	p0 =	seq.s32 s22, $0x0;
	[sflag:s11] =	ssyncset.done $0x0  }
0x26: {  	s24 =	simm.s32 @!p0 $0x2;
	[sflag:s11] =	ssyncadd.s32 $0xFFFF9C00  }
0x27: {  	[hbm4b:s21+s3] =	stream.linear.scatter [tilespmem:s13], [sflag:$0x1], $0x6400, $0x38;
	[tilespmem:$0x1B900] =	vst v63  }
0x28: {  	_ =	swait.ge @!p0 [sflag:s24], $0x6400  }
0x29: {  	s23 =	sshra.s32 s22, $0x2;
	[sflag:s24] =	ssyncset.done @!p0 $0x0  }
0x2a: {  	s25 =	sadd.s32 $0xC8, s23;
	[sflag:s24] =	ssyncadd.s32 @!p0 $0xFFFF9C00  }
0x2b: {  	[tilespmem:s14], [sflag:$0x2] =	stream.indirect.gather [spmem:s2], $0x80, s25, s12, $0xb8;
	[tilespmem:$0x1B900] =	vst v63  }
0x2c: {  	_ =	swait.ge [sflag:s15], $0x6400  }
0x2d: {  	[sflag:s15] =	ssyncset.done $0x0  }
0x2e: {  	s26 =	sadd.s32 $0xC80, s21;
	s24 =	simm.s32 @!p0 $0x3;
	[sflag:s15] =	ssyncadd.s32 $0xFFFF9C00  }
0x2f: {  	[hbm4b:s26+s3] =	stream.linear.scatter [tilespmem:s14], [sflag:$0x2], $0x6400, $0x38;
	[tilespmem:$0x1B900] =	vst v63  }
0x30: {  	_ =	swait.ge @!p0 [sflag:s24], $0x6400  }
0x31: {  	[sflag:s24] =	ssyncset.done @!p0 $0x0  }
0x32: {  	s28 =	sadd.s32 $0x190, s23;
	[sflag:s24] =	ssyncadd.s32 @!p0 $0xFFFF9C00  }
0x33: {  	[tilespmem:s16], [sflag:$0x3] =	stream.indirect.gather [spmem:s2], $0x80, s28, s12, $0xb8;
	[tilespmem:$0x1B900] =	vst v63  }
0x34: {  	_ =	swait.ge [sflag:s17], $0x6400  }
0x35: {  	[sflag:s17] =	ssyncset.done $0x0  }
0x36: {  	s29 =	sadd.s32 $0x1900, s21;
	s24 =	simm.s32 @!p0 $0x4;
	[sflag:s17] =	ssyncadd.s32 $0xFFFF9C00  }
0x37: {  	[hbm4b:s29+s3] =	stream.linear.scatter [tilespmem:s16], [sflag:$0x3], $0x6400, $0x38;
	[tilespmem:$0x1B900] =	vst v63  }
0x38: {  	_ =	swait.ge @!p0 [sflag:s24], $0x6400  }
0x39: {  	[sflag:s24] =	ssyncset.done @!p0 $0x0  }
0x3a: {  	s30 =	sadd.s32 $0x258, s23;
	[sflag:s24] =	ssyncadd.s32 @!p0 $0xFFFF9C00  }
0x3b: {  	[tilespmem:s18], [sflag:$0x4] =	stream.indirect.gather [spmem:s2], $0x80, s30, s12, $0xb8;
	[tilespmem:$0x1B900] =	vst v63  }
0x3c: {  	_ =	swait.ge [sflag:s19], $0x6400  }
0x3d: {  	p0 =	seq.s32 s22, $0x5780;
	[sflag:s19] =	ssyncset.done $0x0  }
.Ltmp2:
0x3e: {  	s31 =	sadd.s32 $0x2580, s21;
	[sflag:s19] =	ssyncadd.s32 $0xFFFF9C00;
	(pc) =	sbr.rel @p0 .LBB2_4-.Ltmp2, $4  }
0x3f: {  	[hbm4b:s31+s3] =	stream.linear.scatter [tilespmem:s18], [sflag:$0x4], $0x6400, $0x38;
	[tilespmem:$0x1B900] =	vst v63  }
0x40: {  	_ =	swait.ge [sflag:s11], $0x6400  }
0x41: {  	[sflag:s11] =	ssyncset.done $0x0  }
0x42: {  	[sflag:s11] =	ssyncadd.s32 $0xFFFF9C00  }
.Ltmp3:
0x43: {  	(pc) =	sbr.rel .LBB2_2-.Ltmp3, $3  }
0x44: {  	_ =	sdelay $0x1  }
0x45: {  	s23 =	sadd.s32 $0x320, s23;
	s22 =	sadd.s32 $0xC80, s22;
	s21 =	sadd.s32 $0x3200, s21  }
0x46: {  	[tilespmem:s13], [sflag:$0x1] =	stream.indirect.gather [spmem:s2], $0x80, s23, s12, $0xb8;
	[tilespmem:$0x1B900] =	vst v63  }
.LBB2_5:
0x47: {  	_ =	sfence.sel $0x180000  }
0x48: {  	[bflag:$0x0] =	sbarrier.arrive $0xFFFF  }
0x49: {  	p0 =	sne.s32 s0, $0x0;
	_ =	strace $0x90000047  }
0x4a: {  	s0 =	sadd.s32 @!p0 $0x100000, s1;
	[bflag:$0x2] =	sbarrier.arrive $0xFFFF  }
0x4b: {  	[sflag:s0] =	ssyncadd.tile.s32 @!p0 $0x1;
	_ =	shalt  }
.Lfunc_end2:
_tile_overlayer_lowered:
.L_overlay_start_2:
0x4c: {  	(tag) =	ssettag $0x2  }
0x4d: {  	s0 =	rddreg [dreg:$0x0];
	s2 =	stileid.u32  }
0x4e: {  	s1 =	rddreg [dreg:$0x1];
	p0 =	sne.s32 s2, $0x0  }
0x4f: {  	s3 =	rddreg [dreg:$0x2];
	[bflag:$0x3] =	sbarrier.arrive $0xFFFF;
	s2 =	simm.s32 @!p0 $0x1C05  }
0x50: {  	[timem:s3], [sflag:s2] =	dma.local @!p0 [hbm:s0], s1  }
0x51: {  	s0 =	simm.s32 @!p0 $0x5  }
0x52: {  	_ =	swait.ge @!p0 [sflag:s0], s1  }
0x53: {  	s1 =	ssub.s32 @!p0 $0x0, s1;
	[sflag:s0] =	ssyncset.done @!p0 $0x0  }
0x54: {  	[sflag:s0] =	ssyncadd.s32 @!p0 s1  }
0x55: {  	[bflag:$0x3] =	sbarrier.arrive $0xFFFF  }
0x56: {  	_ =	shalt  }

</sc_bundles>
